<compile_context>
chip_gen: v7x
topology: tpu7x:2x2x1
jax: 0.10.2.dev20260603
libtpu: 0.0.44.dev20260713+nightly
codegen_flags: <defaults>
</compile_context>

<pallas_src>
import functools

import jax
import jax.numpy as jnp
from jax import lax
from jax.experimental import pallas as pl
from jax.experimental.pallas import tpu as pltpu
from jax.experimental.pallas import tpu_sc as plsc

N = 10000
E = 320000
D = 128
DP = 144
NPAD = 10016
CH = 64
NCORES = 2
NSUB = 16
NCH0 = 228
NCH1 = 92
NCH_TOT = NSUB * (NCH0 + NCH1)
NCH_ALLOC = NCH_TOT + (NCH0 - NCH1)
EPAD = NCH_TOT * CH
RPT = NPAD // NSUB
BASE1 = NSUB * NCH0


@functools.partial(
    pl.kernel,
    out_type=jax.ShapeDtypeStruct((NCORES, NPAD, DP), jnp.float32),
    mesh=plsc.VectorSubcoreMesh(core_axis_name="c", subcore_axis_name="s"),
    scratch_types=[
        pltpu.VMEM_SHARED((NPAD, DP), jnp.float32),
        pltpu.VMEM((NCH0, CH), jnp.int32),
        pltpu.VMEM((CH,), jnp.int32),
        pltpu.VMEM((CH,), jnp.int32),
        pltpu.VMEM((CH, DP), jnp.float32),
        pltpu.VMEM((CH, DP), jnp.float32),
        pltpu.SemaphoreType.DMA,
        pltpu.SemaphoreType.DMA,
        pltpu.SemaphoreType.DMA,
        pltpu.SemaphoreType.DMA,
    ],
    compiler_params=pltpu.CompilerParams(use_tc_tiling_on_sc=False),
)
def _sc_aggregate(xa_hbm, col_hbm, row_hbm, z_hbm, out_hbm,
                  acc_sh, col_v, r0, r1, g0, g1, sem0, sem1, semr0, semr1):
    c = lax.axis_index("c")
    s = lax.axis_index("s")
    nch = jnp.where(c == 0, NCH0, NCH1)
    base = jnp.where(c == 0, s * NCH0, BASE1 + s * NCH1)

    pltpu.sync_copy(z_hbm, acc_sh.at[pl.ds(s * RPT, RPT)])
    pltpu.sync_copy(col_hbm.at[pl.ds(base, NCH0)], col_v)
    plsc.subcore_barrier()

    pltpu.async_copy(row_hbm.at[base], r0, semr0)
    pltpu.async_copy(row_hbm.at[base + 1], r1, semr1)
    xa_c = xa_hbm
    pltpu.async_copy(xa_c.at[col_v.at[0]], g0, sem0)
    pltpu.async_copy(xa_c.at[col_v.at[1]], g1, sem1)

    @pl.loop(0, nch - 2, step=2)
    def _(i):
        pltpu.make_async_copy(xa_c.at[col_v.at[i]], g0, sem0).wait()
        pltpu.make_async_copy(row_hbm.at[base + i], r0, semr0).wait()
        pltpu.sync_copy(g0, acc_sh.at[r0], add=True)
        pltpu.async_copy(xa_c.at[col_v.at[i + 2]], g0, sem0)
        pltpu.async_copy(row_hbm.at[base + i + 2], r0, semr0)

        pltpu.make_async_copy(xa_c.at[col_v.at[i + 1]], g1, sem1).wait()
        pltpu.make_async_copy(row_hbm.at[base + i + 1], r1, semr1).wait()
        pltpu.sync_copy(g1, acc_sh.at[r1], add=True)
        pltpu.async_copy(xa_c.at[col_v.at[i + 3]], g1, sem1)
        pltpu.async_copy(row_hbm.at[base + i + 3], r1, semr1)

    pltpu.make_async_copy(xa_c.at[col_v.at[nch - 2]], g0, sem0).wait()
    pltpu.make_async_copy(row_hbm.at[base + nch - 2], r0, semr0).wait()
    pltpu.sync_copy(g0, acc_sh.at[r0], add=True)
    pltpu.make_async_copy(xa_c.at[col_v.at[nch - 1]], g1, sem1).wait()
    pltpu.make_async_copy(row_hbm.at[base + nch - 1], r1, semr1).wait()
    pltpu.sync_copy(g1, acc_sh.at[r1], add=True)

    plsc.subcore_barrier()
    pltpu.sync_copy(acc_sh.at[pl.ds(s * RPT, RPT)],
                    out_hbm.at[c].at[pl.ds(s * RPT, RPT)])


def _combine(p_ref, o_ref):
    p0 = p_ref[0]
    p1 = p_ref[1]
    sums = p0[:, :D] + p1[:, :D]
    cnt = p0[:, D:D + 1] + p1[:, D:D + 1]
    o_ref[...] = jnp.where(cnt > 0.0, sums / jnp.maximum(cnt, 1.0), 0.0)


def kernel(x, edge_index):
    row = edge_index[0].astype(jnp.int32)
    col = edge_index[1].astype(jnp.int32)
    apad = NCH_ALLOC * CH - E
    dummy_rows = N + jnp.arange(apad, dtype=jnp.int32) % (NPAD - N)
    row_p = jnp.concatenate([row, dummy_rows]).reshape(NCH_ALLOC, CH)
    col_p = jnp.concatenate([col, jnp.zeros((apad,), jnp.int32)]).reshape(
        NCH_ALLOC, CH)
    xa = (jnp.zeros((N, DP), jnp.float32)
          .at[:, :D].set(x)
          .at[:, D].set(1.0))
    zeros = jnp.zeros((RPT, DP), jnp.float32)

    partial = _sc_aggregate(xa, col_p, row_p, zeros)

    RB = 1000
    out = pl.pallas_call(
        _combine,
        out_shape=jax.ShapeDtypeStruct((N, D), jnp.float32),
        grid=(N // RB,),
        in_specs=[pl.BlockSpec((NCORES, RB, DP), lambda i: (0, i, 0))],
        out_specs=pl.BlockSpec((RB, D), lambda i: (i, 0)),
    )(partial)
    return out

# --- scband reference (transcript-rebuilt; emitter-appended) ---
"""Pipeline reference for scband-crypto-aggregator-29317446762861 (READ-ONLY COPY).

The authoritative reference and input builder live on the scoring server;
editing this copy changes nothing except your own understanding.
"""

import jax, jax.numpy as jnp
import numpy as np

N_NODES = 10000
N_EDGES = 320000
D_FEAT = 128

def setup_inputs(seed: int = 0) -> dict:
    key = jax.random.key(seed)
    k1, k2 = jax.random.split(key)
    x = jax.random.normal(k1, (N_NODES, D_FEAT), dtype=jnp.float32)
    edge_index = jax.random.randint(k2, (2, N_EDGES), 0, N_NODES, dtype=jnp.int64)
    return {"x": x, "edge_index": edge_index}

def reference(x, edge_index):
    # CryptoAggregator with aggregation_type='mean', use_attention=False.
    # The torch loop computes, for each node i, the mean of x[col[row == i]].
    # This is exactly a segment-mean of gathered neighbor features keyed by row,
    # with zeros where a node has no outgoing edges (count == 0).
    row = edge_index[0]
    col = edge_index[1]
    n = x.shape[0]
    neighbor_feats = jnp.take(x, col, axis=0)  # gather [E, d]
    sums = jax.ops.segment_sum(neighbor_feats, row, num_segments=n)  # scatter-add
    counts = jax.ops.segment_sum(jnp.ones_like(row, dtype=x.dtype), row, num_segments=n)
    safe_counts = jnp.maximum(counts, 1.0)
    aggregated = jnp.where((counts > 0)[:, None], sums / safe_counts[:, None], jnp.zeros_like(sums))
    return aggregated

if __name__ == "__main__":
    import jax
    _d = setup_inputs()
    print(jax.jit(kernel)(*tuple(_d.values())))

</pallas_src>

<mosaic_0001>
#map = affine_map<(d0, d1) -> (0, 0)>
#map1 = affine_map<(d0, d1) -> (0, 0, 0)>
module attributes {stable_mosaic.version = 14 : i64} {
  func.func @_sc_aggregate(%arg0: i32, %arg1: i32, %arg2: memref<10000x144xf32, #tpu.memory_space<hbm>>, %arg3: memref<5256x64xi32, #tpu.memory_space<hbm>>, %arg4: memref<5256x64xi32, #tpu.memory_space<hbm>>, %arg5: memref<626x144xf32, #tpu.memory_space<hbm>>, %arg6: memref<2x10016x144xf32, #tpu.memory_space<hbm>>, %arg7: memref<10016x144xf32, #tpu.memory_space<vmem_shared>>, %arg8: memref<228x64xi32, #tpu.memory_space<vmem>>, %arg9: memref<64xi32, #tpu.memory_space<vmem>>, %arg10: memref<64xi32, #tpu.memory_space<vmem>>, %arg11: memref<64x144xf32, #tpu.memory_space<vmem>>, %arg12: memref<64x144xf32, #tpu.memory_space<vmem>>, %arg13: memref<!tpu.dma_semaphore, #tpu.memory_space<semaphore_mem>>, %arg14: memref<!tpu.dma_semaphore, #tpu.memory_space<semaphore_mem>>, %arg15: memref<!tpu.dma_semaphore, #tpu.memory_space<semaphore_mem>>, %arg16: memref<!tpu.dma_semaphore, #tpu.memory_space<semaphore_mem>>) attributes {dimension_semantics = [#tpu.dimension_semantics<core_parallel>, #tpu.dimension_semantics<subcore_parallel>], iteration_bounds = array<i64: 2, 16>, scalar_prefetch = 0 : i64, scratch_operands = 10 : i64, tpu.core_type = #tpu.core_type<sc_vector_subcore>, window_params = [{transform_indices = #map}, {transform_indices = #map}, {transform_indices = #map}, {transform_indices = #map}, {transform_indices = #map1}]} {
    %eq3A = arith.constant 0 : i32
    %eq3A_0 = arith.cmpi eq, %arg0, %eq3A : i32
    %jit3A = arith.constant 228 : i32
    %jit3A_1 = arith.constant 92 : i32
    %select_n3A = arith.select %eq3A_0, %jit3A, %jit3A_1 : i32
    %eq3A_2 = arith.constant 0 : i32
    %eq3A_3 = arith.cmpi eq, %arg0, %eq3A_2 : i32
    %mul3A = arith.constant 228 : i32
    %mul3A_4 = arith.muli %arg1, %mul3A : i32
    %mul3A_5 = arith.constant 92 : i32
    %mul3A_6 = arith.muli %arg1, %mul3A_5 : i32
    %add3A = arith.constant 3648 : i32
    %add3A_7 = arith.addi %add3A, %mul3A_6 : i32
    %select_n3A_8 = arith.select %eq3A_3, %mul3A_4, %add3A_7 : i32
    %mul3A_9 = arith.constant 626 : i32
    %mul3A_10 = arith.muli %arg1, %mul3A_9 : i32
    "tpu.region"() ({
      %run_scoped3A = tpu.sem_alloc : memref<!tpu.dma_semaphore, #tpu.memory_space<semaphore_mem>>
      %dma_start3A_94 = arith.constant 0 : i32
      %dma_start3A_95 = tpu.memref_slice %arg7[%mul3A_10, %dma_start3A_94] : memref<10016x144xf32, #tpu.memory_space<vmem_shared>> -> memref<626x144xf32, #tpu.memory_space<vmem_shared>>
      tpu.enqueue_dma source(%arg5 : memref<626x144xf32, #tpu.memory_space<hbm>>) target(%dma_start3A_95 : memref<626x144xf32, #tpu.memory_space<vmem_shared>>) target_semaphore(%run_scoped3A : memref<!tpu.dma_semaphore, #tpu.memory_space<semaphore_mem>>)
      %dma_wait3A_96 = arith.constant 0 : i32
      %dma_wait3A_97 = tpu.memref_slice %arg7[%mul3A_10, %dma_wait3A_96] : memref<10016x144xf32, #tpu.memory_space<vmem_shared>> -> memref<626x144xf32, #tpu.memory_space<vmem_shared>>
      tpu.wait_dma2 semaphore(%run_scoped3A : memref<!tpu.dma_semaphore, #tpu.memory_space<semaphore_mem>>) src(%arg5 : memref<626x144xf32, #tpu.memory_space<hbm>>) dst(%dma_wait3A_97 : memref<626x144xf32, #tpu.memory_space<vmem_shared>>)
      tpu.yield
    }) : () -> ()
    "tpu.region"() ({
      %run_scoped3A = tpu.sem_alloc : memref<!tpu.dma_semaphore, #tpu.memory_space<semaphore_mem>>
      %dma_start3A_94 = arith.constant 0 : i32
      %dma_start3A_95 = tpu.memref_slice %arg3[%select_n3A_8, %dma_start3A_94] : memref<5256x64xi32, #tpu.memory_space<hbm>> -> memref<228x64xi32, #tpu.memory_space<hbm>>
      %dma_start3A_96 = arith.constant 0 : i32
      %dma_start3A_97 = tpu.memref_slice %arg3[%select_n3A_8, %dma_start3A_96] : memref<5256x64xi32, #tpu.memory_space<hbm>> -> memref<228x64xi32, #tpu.memory_space<hbm>>
      tpu.enqueue_dma source(%dma_start3A_97 : memref<228x64xi32, #tpu.memory_space<hbm>>) target(%arg8 : memref<228x64xi32, #tpu.memory_space<vmem>>) target_semaphore(%run_scoped3A : memref<!tpu.dma_semaphore, #tpu.memory_space<semaphore_mem>>)
      %dma_wait3A_98 = arith.constant 0 : i32
      %dma_wait3A_99 = tpu.memref_slice %arg3[%select_n3A_8, %dma_wait3A_98] : memref<5256x64xi32, #tpu.memory_space<hbm>> -> memref<228x64xi32, #tpu.memory_space<hbm>>
      %dma_wait3A_100 = arith.constant 0 : i32
      %dma_wait3A_101 = tpu.memref_slice %arg3[%select_n3A_8, %dma_wait3A_100] : memref<5256x64xi32, #tpu.memory_space<hbm>> -> memref<228x64xi32, #tpu.memory_space<hbm>>
      tpu.wait_dma2 semaphore(%run_scoped3A : memref<!tpu.dma_semaphore, #tpu.memory_space<semaphore_mem>>) src(%dma_wait3A_101 : memref<228x64xi32, #tpu.memory_space<hbm>>) dst(%arg8 : memref<228x64xi32, #tpu.memory_space<vmem>>)
      tpu.yield
    }) : () -> ()
    %barrier3A = arith.constant 0 : index
    tpu.barrier barrier_id(%barrier3A)
    %dma_start3A = arith.constant 0 : i32
    %dma_start3A_11 = tpu.memref_slice %arg4[%select_n3A_8, %dma_start3A] : memref<5256x64xi32, #tpu.memory_space<hbm>> -> memref<1x64xi32, #tpu.memory_space<hbm>>
    %dma_start3A_12 = tpu.memref_squeeze %dma_start3A_11 : memref<1x64xi32, #tpu.memory_space<hbm>> -> memref<64xi32, #tpu.memory_space<hbm>>
    %dma_start3A_13 = arith.constant 0 : i32
    %dma_start3A_14 = tpu.memref_slice %arg4[%select_n3A_8, %dma_start3A_13] : memref<5256x64xi32, #tpu.memory_space<hbm>> -> memref<1x64xi32, #tpu.memory_space<hbm>>
    %dma_start3A_15 = tpu.memref_squeeze %dma_start3A_14 : memref<1x64xi32, #tpu.memory_space<hbm>> -> memref<64xi32, #tpu.memory_space<hbm>>
    tpu.enqueue_dma source(%dma_start3A_15 : memref<64xi32, #tpu.memory_space<hbm>>) target(%arg9 : memref<64xi32, #tpu.memory_space<vmem>>) target_semaphore(%arg15 : memref<!tpu.dma_semaphore, #tpu.memory_space<semaphore_mem>>)
    %add3A_16 = arith.constant 1 : i32
    %add3A_17 = arith.addi %select_n3A_8, %add3A_16 : i32
    %dma_start3A_18 = arith.constant 0 : i32
    %dma_start3A_19 = tpu.memref_slice %arg4[%add3A_17, %dma_start3A_18] : memref<5256x64xi32, #tpu.memory_space<hbm>> -> memref<1x64xi32, #tpu.memory_space<hbm>>
    %dma_start3A_20 = tpu.memref_squeeze %dma_start3A_19 : memref<1x64xi32, #tpu.memory_space<hbm>> -> memref<64xi32, #tpu.memory_space<hbm>>
    %dma_start3A_21 = arith.constant 0 : i32
    %dma_start3A_22 = tpu.memref_slice %arg4[%add3A_17, %dma_start3A_21] : memref<5256x64xi32, #tpu.memory_space<hbm>> -> memref<1x64xi32, #tpu.memory_space<hbm>>
    %dma_start3A_23 = tpu.memref_squeeze %dma_start3A_22 : memref<1x64xi32, #tpu.memory_space<hbm>> -> memref<64xi32, #tpu.memory_space<hbm>>
    tpu.enqueue_dma source(%dma_start3A_23 : memref<64xi32, #tpu.memory_space<hbm>>) target(%arg10 : memref<64xi32, #tpu.memory_space<vmem>>) target_semaphore(%arg16 : memref<!tpu.dma_semaphore, #tpu.memory_space<semaphore_mem>>)
    %dma_start3A_24 = arith.constant 0 : i32
    %dma_start3A_25 = arith.constant 0 : i32
    %dma_start3A_26 = tpu.memref_slice %arg8[%dma_start3A_24, %dma_start3A_25] : memref<228x64xi32, #tpu.memory_space<vmem>> -> memref<1x64xi32, #tpu.memory_space<vmem>>
    %dma_start3A_27 = tpu.memref_squeeze %dma_start3A_26 : memref<1x64xi32, #tpu.memory_space<vmem>> -> memref<64xi32, #tpu.memory_space<vmem>>
    %dma_start3A_28 = arith.constant 0 : i32
    %dma_start3A_29 = arith.constant 0 : i32
    %dma_start3A_30 = tpu.memref_slice %arg2[%dma_start3A_28, %dma_start3A_29] : memref<10000x144xf32, #tpu.memory_space<hbm>> -> memref<10000x144xf32, #tpu.memory_space<hbm>>
    tpu.enqueue_indirect_dma source(%dma_start3A_30 : memref<10000x144xf32, #tpu.memory_space<hbm>>) target(%arg11 : memref<64x144xf32, #tpu.memory_space<vmem>>) offsets(%dma_start3A_27 : memref<64xi32, #tpu.memory_space<vmem>>) semaphore(%arg13 : memref<!tpu.dma_semaphore, #tpu.memory_space<semaphore_mem>>)
    %dma_start3A_31 = arith.constant 1 : i32
    %dma_start3A_32 = arith.constant 0 : i32
    %dma_start3A_33 = tpu.memref_slice %arg8[%dma_start3A_31, %dma_start3A_32] : memref<228x64xi32, #tpu.memory_space<vmem>> -> memref<1x64xi32, #tpu.memory_space<vmem>>
    %dma_start3A_34 = tpu.memref_squeeze %dma_start3A_33 : memref<1x64xi32, #tpu.memory_space<vmem>> -> memref<64xi32, #tpu.memory_space<vmem>>
    %dma_start3A_35 = arith.constant 0 : i32
    %dma_start3A_36 = arith.constant 0 : i32
    %dma_start3A_37 = tpu.memref_slice %arg2[%dma_start3A_35, %dma_start3A_36] : memref<10000x144xf32, #tpu.memory_space<hbm>> -> memref<10000x144xf32, #tpu.memory_space<hbm>>
    tpu.enqueue_indirect_dma source(%dma_start3A_37 : memref<10000x144xf32, #tpu.memory_space<hbm>>) target(%arg12 : memref<64x144xf32, #tpu.memory_space<vmem>>) offsets(%dma_start3A_34 : memref<64xi32, #tpu.memory_space<vmem>>) semaphore(%arg14 : memref<!tpu.dma_semaphore, #tpu.memory_space<semaphore_mem>>)
    %sub3A = arith.constant 2 : i32
    %sub3A_38 = arith.subi %select_n3A, %sub3A : i32
    %sub3A_39 = arith.constant 0 : i32
    %sub3A_40 = arith.subi %sub3A_38, %sub3A_39 : i32
    %sub3A_41 = arith.constant 2 : i32
    %sub3A_42 = arith.constant 1 : i32
    %sub3A_43 = arith.subi %sub3A_41, %sub3A_42 : i32
    %add3A_44 = arith.addi %sub3A_40, %sub3A_43 : i32
    %div3A = arith.constant 2 : i32
    %div3A_45 = arith.divsi %add3A_44, %div3A : i32
    %while3A = arith.constant 2 : i32
    %while3A_46 = arith.constant 0 : i32
    %while3A_47 = arith.constant 0 : i32
    %while3A_48 = arith.subi %div3A_45, %while3A_47 : i32
    %while3A_49 = arith.addi %while3A_47, %while3A_48 : i32
    %while3A_50 = arith.constant 1 : i32
    %while3A_51 = arith.divsi %while3A_48, %while3A_50 : i32
    %while3A_52 = arith.muli %while3A_51, %while3A_50 : i32
    %while3A_53 = arith.addi %while3A_47, %while3A_52 : i32
    %while3A_54 = arith.constant 1 : i32
    scf.for %while3A_94 = %while3A_47 to %while3A_53 step %while3A_54  : i32 {
      %mul3A_95 = arith.muli %while3A_94, %while3A : i32
      %add3A_96 = arith.addi %while3A_46, %mul3A_95 : i32
      %dma_wait3A_97 = arith.constant 0 : i32
      %dma_wait3A_98 = tpu.memref_slice %arg8[%add3A_96, %dma_wait3A_97] : memref<228x64xi32, #tpu.memory_space<vmem>> -> memref<1x64xi32, #tpu.memory_space<vmem>>
      %dma_wait3A_99 = tpu.memref_squeeze %dma_wait3A_98 : memref<1x64xi32, #tpu.memory_space<vmem>> -> memref<64xi32, #tpu.memory_space<vmem>>
      %dma_wait3A_100 = arith.constant 0 : i32
      %dma_wait3A_101 = arith.constant 0 : i32
      %dma_wait3A_102 = tpu.memref_slice %arg2[%dma_wait3A_100, %dma_wait3A_101] : memref<10000x144xf32, #tpu.memory_space<hbm>> -> memref<10000x144xf32, #tpu.memory_space<hbm>>
      tpu.wait_indirect_dma semaphore(%arg13 : memref<!tpu.dma_semaphore, #tpu.memory_space<semaphore_mem>>) src(%dma_wait3A_102 : memref<10000x144xf32, #tpu.memory_space<hbm>>) dst(%arg11 : memref<64x144xf32, #tpu.memory_space<vmem>>)
      %add3A_103 = arith.addi %select_n3A_8, %add3A_96 : i32
      %dma_wait3A_104 = arith.constant 0 : i32
      %dma_wait3A_105 = tpu.memref_slice %arg4[%add3A_103, %dma_wait3A_104] : memref<5256x64xi32, #tpu.memory_space<hbm>> -> memref<1x64xi32, #tpu.memory_space<hbm>>
      %dma_wait3A_106 = tpu.memref_squeeze %dma_wait3A_105 : memref<1x64xi32, #tpu.memory_space<hbm>> -> memref<64xi32, #tpu.memory_space<hbm>>
      %dma_wait3A_107 = arith.constant 0 : i32
      %dma_wait3A_108 = tpu.memref_slice %arg4[%add3A_103, %dma_wait3A_107] : memref<5256x64xi32, #tpu.memory_space<hbm>> -> memref<1x64xi32, #tpu.memory_space<hbm>>
      %dma_wait3A_109 = tpu.memref_squeeze %dma_wait3A_108 : memref<1x64xi32, #tpu.memory_space<hbm>> -> memref<64xi32, #tpu.memory_space<hbm>>
      tpu.wait_dma2 semaphore(%arg15 : memref<!tpu.dma_semaphore, #tpu.memory_space<semaphore_mem>>) src(%dma_wait3A_109 : memref<64xi32, #tpu.memory_space<hbm>>) dst(%arg9 : memref<64xi32, #tpu.memory_space<vmem>>)
      "tpu.region"() ({
        %run_scoped3A = tpu.sem_alloc : memref<!tpu.dma_semaphore, #tpu.memory_space<semaphore_mem>>
        %dma_start3A_161 = arith.constant 0 : i32
        %dma_start3A_162 = arith.constant 0 : i32
        %dma_start3A_163 = tpu.memref_slice %arg7[%dma_start3A_161, %dma_start3A_162] : memref<10016x144xf32, #tpu.memory_space<vmem_shared>> -> memref<10016x144xf32, #tpu.memory_space<vmem_shared>>
        tpu.enqueue_indirect_dma source(%arg11 : memref<64x144xf32, #tpu.memory_space<vmem>>) target(%dma_start3A_163 : memref<10016x144xf32, #tpu.memory_space<vmem_shared>>) offsets(%arg9 : memref<64xi32, #tpu.memory_space<vmem>>) semaphore(%run_scoped3A : memref<!tpu.dma_semaphore, #tpu.memory_space<semaphore_mem>>) {add = true}
        %dma_wait3A_164 = arith.constant 0 : i32
        %dma_wait3A_165 = arith.constant 0 : i32
        %dma_wait3A_166 = tpu.memref_slice %arg7[%dma_wait3A_164, %dma_wait3A_165] : memref<10016x144xf32, #tpu.memory_space<vmem_shared>> -> memref<10016x144xf32, #tpu.memory_space<vmem_shared>>
        tpu.wait_indirect_dma semaphore(%run_scoped3A : memref<!tpu.dma_semaphore, #tpu.memory_space<semaphore_mem>>) src(%arg11 : memref<64x144xf32, #tpu.memory_space<vmem>>) dst(%dma_wait3A_166 : memref<10016x144xf32, #tpu.memory_space<vmem_shared>>)
        tpu.yield
      }) : () -> ()
      %add3A_110 = arith.constant 2 : i32
      %add3A_111 = arith.addi %add3A_96, %add3A_110 : i32
      %dma_start3A_112 = arith.constant 0 : i32
      %dma_start3A_113 = tpu.memref_slice %arg8[%add3A_111, %dma_start3A_112] : memref<228x64xi32, #tpu.memory_space<vmem>> -> memref<1x64xi32, #tpu.memory_space<vmem>>
      %dma_start3A_114 = tpu.memref_squeeze %dma_start3A_113 : memref<1x64xi32, #tpu.memory_space<vmem>> -> memref<64xi32, #tpu.memory_space<vmem>>
      %dma_start3A_115 = arith.constant 0 : i32
      %dma_start3A_116 = arith.constant 0 : i32
      %dma_start3A_117 = tpu.memref_slice %arg2[%dma_start3A_115, %dma_start3A_116] : memref<10000x144xf32, #tpu.memory_space<hbm>> -> memref<10000x144xf32, #tpu.memory_space<hbm>>
      tpu.enqueue_indirect_dma source(%dma_start3A_117 : memref<10000x144xf32, #tpu.memory_space<hbm>>) target(%arg11 : memref<64x144xf32, #tpu.memory_space<vmem>>) offsets(%dma_start3A_114 : memref<64xi32, #tpu.memory_space<vmem>>) semaphore(%arg13 : memref<!tpu.dma_semaphore, #tpu.memory_space<semaphore_mem>>)
      %add3A_118 = arith.addi %select_n3A_8, %add3A_96 : i32
      %add3A_119 = arith.constant 2 : i32
      %add3A_120 = arith.addi %add3A_118, %add3A_119 : i32
      %dma_start3A_121 = arith.constant 0 : i32
      %dma_start3A_122 = tpu.memref_slice %arg4[%add3A_120, %dma_start3A_121] : memref<5256x64xi32, #tpu.memory_space<hbm>> -> memref<1x64xi32, #tpu.memory_space<hbm>>
      %dma_start3A_123 = tpu.memref_squeeze %dma_start3A_122 : memref<1x64xi32, #tpu.memory_space<hbm>> -> memref<64xi32, #tpu.memory_space<hbm>>
      %dma_start3A_124 = arith.constant 0 : i32
      %dma_start3A_125 = tpu.memref_slice %arg4[%add3A_120, %dma_start3A_124] : memref<5256x64xi32, #tpu.memory_space<hbm>> -> memref<1x64xi32, #tpu.memory_space<hbm>>
      %dma_start3A_126 = tpu.memref_squeeze %dma_start3A_125 : memref<1x64xi32, #tpu.memory_space<hbm>> -> memref<64xi32, #tpu.memory_space<hbm>>
      tpu.enqueue_dma source(%dma_start3A_126 : memref<64xi32, #tpu.memory_space<hbm>>) target(%arg9 : memref<64xi32, #tpu.memory_space<vmem>>) target_semaphore(%arg15 : memref<!tpu.dma_semaphore, #tpu.memory_space<semaphore_mem>>)
      %add3A_127 = arith.constant 1 : i32
      %add3A_128 = arith.addi %add3A_96, %add3A_127 : i32
      %dma_wait3A_129 = arith.constant 0 : i32
      %dma_wait3A_130 = tpu.memref_slice %arg8[%add3A_128, %dma_wait3A_129] : memref<228x64xi32, #tpu.memory_space<vmem>> -> memref<1x64xi32, #tpu.memory_space<vmem>>
      %dma_wait3A_131 = tpu.memref_squeeze %dma_wait3A_130 : memref<1x64xi32, #tpu.memory_space<vmem>> -> memref<64xi32, #tpu.memory_space<vmem>>
      %dma_wait3A_132 = arith.constant 0 : i32
      %dma_wait3A_133 = arith.constant 0 : i32
      %dma_wait3A_134 = tpu.memref_slice %arg2[%dma_wait3A_132, %dma_wait3A_133] : memref<10000x144xf32, #tpu.memory_space<hbm>> -> memref<10000x144xf32, #tpu.memory_space<hbm>>
      tpu.wait_indirect_dma semaphore(%arg14 : memref<!tpu.dma_semaphore, #tpu.memory_space<semaphore_mem>>) src(%dma_wait3A_134 : memref<10000x144xf32, #tpu.memory_space<hbm>>) dst(%arg12 : memref<64x144xf32, #tpu.memory_space<vmem>>)
      %add3A_135 = arith.addi %select_n3A_8, %add3A_96 : i32
      %add3A_136 = arith.constant 1 : i32
      %add3A_137 = arith.addi %add3A_135, %add3A_136 : i32
      %dma_wait3A_138 = arith.constant 0 : i32
      %dma_wait3A_139 = tpu.memref_slice %arg4[%add3A_137, %dma_wait3A_138] : memref<5256x64xi32, #tpu.memory_space<hbm>> -> memref<1x64xi32, #tpu.memory_space<hbm>>
      %dma_wait3A_140 = tpu.memref_squeeze %dma_wait3A_139 : memref<1x64xi32, #tpu.memory_space<hbm>> -> memref<64xi32, #tpu.memory_space<hbm>>
      %dma_wait3A_141 = arith.constant 0 : i32
      %dma_wait3A_142 = tpu.memref_slice %arg4[%add3A_137, %dma_wait3A_141] : memref<5256x64xi32, #tpu.memory_space<hbm>> -> memref<1x64xi32, #tpu.memory_space<hbm>>
      %dma_wait3A_143 = tpu.memref_squeeze %dma_wait3A_142 : memref<1x64xi32, #tpu.memory_space<hbm>> -> memref<64xi32, #tpu.memory_space<hbm>>
      tpu.wait_dma2 semaphore(%arg16 : memref<!tpu.dma_semaphore, #tpu.memory_space<semaphore_mem>>) src(%dma_wait3A_143 : memref<64xi32, #tpu.memory_space<hbm>>) dst(%arg10 : memref<64xi32, #tpu.memory_space<vmem>>)
      "tpu.region"() ({
        %run_scoped3A = tpu.sem_alloc : memref<!tpu.dma_semaphore, #tpu.memory_space<semaphore_mem>>
        %dma_start3A_161 = arith.constant 0 : i32
        %dma_start3A_162 = arith.constant 0 : i32
        %dma_start3A_163 = tpu.memref_slice %arg7[%dma_start3A_161, %dma_start3A_162] : memref<10016x144xf32, #tpu.memory_space<vmem_shared>> -> memref<10016x144xf32, #tpu.memory_space<vmem_shared>>
        tpu.enqueue_indirect_dma source(%arg12 : memref<64x144xf32, #tpu.memory_space<vmem>>) target(%dma_start3A_163 : memref<10016x144xf32, #tpu.memory_space<vmem_shared>>) offsets(%arg10 : memref<64xi32, #tpu.memory_space<vmem>>) semaphore(%run_scoped3A : memref<!tpu.dma_semaphore, #tpu.memory_space<semaphore_mem>>) {add = true}
        %dma_wait3A_164 = arith.constant 0 : i32
        %dma_wait3A_165 = arith.constant 0 : i32
        %dma_wait3A_166 = tpu.memref_slice %arg7[%dma_wait3A_164, %dma_wait3A_165] : memref<10016x144xf32, #tpu.memory_space<vmem_shared>> -> memref<10016x144xf32, #tpu.memory_space<vmem_shared>>
        tpu.wait_indirect_dma semaphore(%run_scoped3A : memref<!tpu.dma_semaphore, #tpu.memory_space<semaphore_mem>>) src(%arg12 : memref<64x144xf32, #tpu.memory_space<vmem>>) dst(%dma_wait3A_166 : memref<10016x144xf32, #tpu.memory_space<vmem_shared>>)
        tpu.yield
      }) : () -> ()
      %add3A_144 = arith.constant 3 : i32
      %add3A_145 = arith.addi %add3A_96, %add3A_144 : i32
      %dma_start3A_146 = arith.constant 0 : i32
      %dma_start3A_147 = tpu.memref_slice %arg8[%add3A_145, %dma_start3A_146] : memref<228x64xi32, #tpu.memory_space<vmem>> -> memref<1x64xi32, #tpu.memory_space<vmem>>
      %dma_start3A_148 = tpu.memref_squeeze %dma_start3A_147 : memref<1x64xi32, #tpu.memory_space<vmem>> -> memref<64xi32, #tpu.memory_space<vmem>>
      %dma_start3A_149 = arith.constant 0 : i32
      %dma_start3A_150 = arith.constant 0 : i32
      %dma_start3A_151 = tpu.memref_slice %arg2[%dma_start3A_149, %dma_start3A_150] : memref<10000x144xf32, #tpu.memory_space<hbm>> -> memref<10000x144xf32, #tpu.memory_space<hbm>>
      tpu.enqueue_indirect_dma source(%dma_start3A_151 : memref<10000x144xf32, #tpu.memory_space<hbm>>) target(%arg12 : memref<64x144xf32, #tpu.memory_space<vmem>>) offsets(%dma_start3A_148 : memref<64xi32, #tpu.memory_space<vmem>>) semaphore(%arg14 : memref<!tpu.dma_semaphore, #tpu.memory_space<semaphore_mem>>)
      %add3A_152 = arith.addi %select_n3A_8, %add3A_96 : i32
      %add3A_153 = arith.constant 3 : i32
      %add3A_154 = arith.addi %add3A_152, %add3A_153 : i32
      %dma_start3A_155 = arith.constant 0 : i32
      %dma_start3A_156 = tpu.memref_slice %arg4[%add3A_154, %dma_start3A_155] : memref<5256x64xi32, #tpu.memory_space<hbm>> -> memref<1x64xi32, #tpu.memory_space<hbm>>
      %dma_start3A_157 = tpu.memref_squeeze %dma_start3A_156 : memref<1x64xi32, #tpu.memory_space<hbm>> -> memref<64xi32, #tpu.memory_space<hbm>>
      %dma_start3A_158 = arith.constant 0 : i32
      %dma_start3A_159 = tpu.memref_slice %arg4[%add3A_154, %dma_start3A_158] : memref<5256x64xi32, #tpu.memory_space<hbm>> -> memref<1x64xi32, #tpu.memory_space<hbm>>
      %dma_start3A_160 = tpu.memref_squeeze %dma_start3A_159 : memref<1x64xi32, #tpu.memory_space<hbm>> -> memref<64xi32, #tpu.memory_space<hbm>>
      tpu.enqueue_dma source(%dma_start3A_160 : memref<64xi32, #tpu.memory_space<hbm>>) target(%arg10 : memref<64xi32, #tpu.memory_space<vmem>>) target_semaphore(%arg16 : memref<!tpu.dma_semaphore, #tpu.memory_space<semaphore_mem>>)
    }
    %while3A_55 = arith.constant 1 : i32
    scf.for %while3A_94 = %while3A_53 to %while3A_49 step %while3A_55  : i32 {
      %mul3A_95 = arith.muli %while3A_94, %while3A : i32
      %add3A_96 = arith.addi %while3A_46, %mul3A_95 : i32
      %dma_wait3A_97 = arith.constant 0 : i32
      %dma_wait3A_98 = tpu.memref_slice %arg8[%add3A_96, %dma_wait3A_97] : memref<228x64xi32, #tpu.memory_space<vmem>> -> memref<1x64xi32, #tpu.memory_space<vmem>>
      %dma_wait3A_99 = tpu.memref_squeeze %dma_wait3A_98 : memref<1x64xi32, #tpu.memory_space<vmem>> -> memref<64xi32, #tpu.memory_space<vmem>>
      %dma_wait3A_100 = arith.constant 0 : i32
      %dma_wait3A_101 = arith.constant 0 : i32
      %dma_wait3A_102 = tpu.memref_slice %arg2[%dma_wait3A_100, %dma_wait3A_101] : memref<10000x144xf32, #tpu.memory_space<hbm>> -> memref<10000x144xf32, #tpu.memory_space<hbm>>
      tpu.wait_indirect_dma semaphore(%arg13 : memref<!tpu.dma_semaphore, #tpu.memory_space<semaphore_mem>>) src(%dma_wait3A_102 : memref<10000x144xf32, #tpu.memory_space<hbm>>) dst(%arg11 : memref<64x144xf32, #tpu.memory_space<vmem>>)
      %add3A_103 = arith.addi %select_n3A_8, %add3A_96 : i32
      %dma_wait3A_104 = arith.constant 0 : i32
      %dma_wait3A_105 = tpu.memref_slice %arg4[%add3A_103, %dma_wait3A_104] : memref<5256x64xi32, #tpu.memory_space<hbm>> -> memref<1x64xi32, #tpu.memory_space<hbm>>
      %dma_wait3A_106 = tpu.memref_squeeze %dma_wait3A_105 : memref<1x64xi32, #tpu.memory_space<hbm>> -> memref<64xi32, #tpu.memory_space<hbm>>
      %dma_wait3A_107 = arith.constant 0 : i32
      %dma_wait3A_108 = tpu.memref_slice %arg4[%add3A_103, %dma_wait3A_107] : memref<5256x64xi32, #tpu.memory_space<hbm>> -> memref<1x64xi32, #tpu.memory_space<hbm>>
      %dma_wait3A_109 = tpu.memref_squeeze %dma_wait3A_108 : memref<1x64xi32, #tpu.memory_space<hbm>> -> memref<64xi32, #tpu.memory_space<hbm>>
      tpu.wait_dma2 semaphore(%arg15 : memref<!tpu.dma_semaphore, #tpu.memory_space<semaphore_mem>>) src(%dma_wait3A_109 : memref<64xi32, #tpu.memory_space<hbm>>) dst(%arg9 : memref<64xi32, #tpu.memory_space<vmem>>)
      "tpu.region"() ({
        %run_scoped3A = tpu.sem_alloc : memref<!tpu.dma_semaphore, #tpu.memory_space<semaphore_mem>>
        %dma_start3A_161 = arith.constant 0 : i32
        %dma_start3A_162 = arith.constant 0 : i32
        %dma_start3A_163 = tpu.memref_slice %arg7[%dma_start3A_161, %dma_start3A_162] : memref<10016x144xf32, #tpu.memory_space<vmem_shared>> -> memref<10016x144xf32, #tpu.memory_space<vmem_shared>>
        tpu.enqueue_indirect_dma source(%arg11 : memref<64x144xf32, #tpu.memory_space<vmem>>) target(%dma_start3A_163 : memref<10016x144xf32, #tpu.memory_space<vmem_shared>>) offsets(%arg9 : memref<64xi32, #tpu.memory_space<vmem>>) semaphore(%run_scoped3A : memref<!tpu.dma_semaphore, #tpu.memory_space<semaphore_mem>>) {add = true}
        %dma_wait3A_164 = arith.constant 0 : i32
        %dma_wait3A_165 = arith.constant 0 : i32
        %dma_wait3A_166 = tpu.memref_slice %arg7[%dma_wait3A_164, %dma_wait3A_165] : memref<10016x144xf32, #tpu.memory_space<vmem_shared>> -> memref<10016x144xf32, #tpu.memory_space<vmem_shared>>
        tpu.wait_indirect_dma semaphore(%run_scoped3A : memref<!tpu.dma_semaphore, #tpu.memory_space<semaphore_mem>>) src(%arg11 : memref<64x144xf32, #tpu.memory_space<vmem>>) dst(%dma_wait3A_166 : memref<10016x144xf32, #tpu.memory_space<vmem_shared>>)
        tpu.yield
      }) : () -> ()
      %add3A_110 = arith.constant 2 : i32
      %add3A_111 = arith.addi %add3A_96, %add3A_110 : i32
      %dma_start3A_112 = arith.constant 0 : i32
      %dma_start3A_113 = tpu.memref_slice %arg8[%add3A_111, %dma_start3A_112] : memref<228x64xi32, #tpu.memory_space<vmem>> -> memref<1x64xi32, #tpu.memory_space<vmem>>
      %dma_start3A_114 = tpu.memref_squeeze %dma_start3A_113 : memref<1x64xi32, #tpu.memory_space<vmem>> -> memref<64xi32, #tpu.memory_space<vmem>>
      %dma_start3A_115 = arith.constant 0 : i32
      %dma_start3A_116 = arith.constant 0 : i32
      %dma_start3A_117 = tpu.memref_slice %arg2[%dma_start3A_115, %dma_start3A_116] : memref<10000x144xf32, #tpu.memory_space<hbm>> -> memref<10000x144xf32, #tpu.memory_space<hbm>>
      tpu.enqueue_indirect_dma source(%dma_start3A_117 : memref<10000x144xf32, #tpu.memory_space<hbm>>) target(%arg11 : memref<64x144xf32, #tpu.memory_space<vmem>>) offsets(%dma_start3A_114 : memref<64xi32, #tpu.memory_space<vmem>>) semaphore(%arg13 : memref<!tpu.dma_semaphore, #tpu.memory_space<semaphore_mem>>)
      %add3A_118 = arith.addi %select_n3A_8, %add3A_96 : i32
      %add3A_119 = arith.constant 2 : i32
      %add3A_120 = arith.addi %add3A_118, %add3A_119 : i32
      %dma_start3A_121 = arith.constant 0 : i32
      %dma_start3A_122 = tpu.memref_slice %arg4[%add3A_120, %dma_start3A_121] : memref<5256x64xi32, #tpu.memory_space<hbm>> -> memref<1x64xi32, #tpu.memory_space<hbm>>
      %dma_start3A_123 = tpu.memref_squeeze %dma_start3A_122 : memref<1x64xi32, #tpu.memory_space<hbm>> -> memref<64xi32, #tpu.memory_space<hbm>>
      %dma_start3A_124 = arith.constant 0 : i32
      %dma_start3A_125 = tpu.memref_slice %arg4[%add3A_120, %dma_start3A_124] : memref<5256x64xi32, #tpu.memory_space<hbm>> -> memref<1x64xi32, #tpu.memory_space<hbm>>
      %dma_start3A_126 = tpu.memref_squeeze %dma_start3A_125 : memref<1x64xi32, #tpu.memory_space<hbm>> -> memref<64xi32, #tpu.memory_space<hbm>>
      tpu.enqueue_dma source(%dma_start3A_126 : memref<64xi32, #tpu.memory_space<hbm>>) target(%arg9 : memref<64xi32, #tpu.memory_space<vmem>>) target_semaphore(%arg15 : memref<!tpu.dma_semaphore, #tpu.memory_space<semaphore_mem>>)
      %add3A_127 = arith.constant 1 : i32
      %add3A_128 = arith.addi %add3A_96, %add3A_127 : i32
      %dma_wait3A_129 = arith.constant 0 : i32
      %dma_wait3A_130 = tpu.memref_slice %arg8[%add3A_128, %dma_wait3A_129] : memref<228x64xi32, #tpu.memory_space<vmem>> -> memref<1x64xi32, #tpu.memory_space<vmem>>
      %dma_wait3A_131 = tpu.memref_squeeze %dma_wait3A_130 : memref<1x64xi32, #tpu.memory_space<vmem>> -> memref<64xi32, #tpu.memory_space<vmem>>
      %dma_wait3A_132 = arith.constant 0 : i32
      %dma_wait3A_133 = arith.constant 0 : i32
      %dma_wait3A_134 = tpu.memref_slice %arg2[%dma_wait3A_132, %dma_wait3A_133] : memref<10000x144xf32, #tpu.memory_space<hbm>> -> memref<10000x144xf32, #tpu.memory_space<hbm>>
      tpu.wait_indirect_dma semaphore(%arg14 : memref<!tpu.dma_semaphore, #tpu.memory_space<semaphore_mem>>) src(%dma_wait3A_134 : memref<10000x144xf32, #tpu.memory_space<hbm>>) dst(%arg12 : memref<64x144xf32, #tpu.memory_space<vmem>>)
      %add3A_135 = arith.addi %select_n3A_8, %add3A_96 : i32
      %add3A_136 = arith.constant 1 : i32
      %add3A_137 = arith.addi %add3A_135, %add3A_136 : i32
      %dma_wait3A_138 = arith.constant 0 : i32
      %dma_wait3A_139 = tpu.memref_slice %arg4[%add3A_137, %dma_wait3A_138] : memref<5256x64xi32, #tpu.memory_space<hbm>> -> memref<1x64xi32, #tpu.memory_space<hbm>>
      %dma_wait3A_140 = tpu.memref_squeeze %dma_wait3A_139 : memref<1x64xi32, #tpu.memory_space<hbm>> -> memref<64xi32, #tpu.memory_space<hbm>>
      %dma_wait3A_141 = arith.constant 0 : i32
      %dma_wait3A_142 = tpu.memref_slice %arg4[%add3A_137, %dma_wait3A_141] : memref<5256x64xi32, #tpu.memory_space<hbm>> -> memref<1x64xi32, #tpu.memory_space<hbm>>
      %dma_wait3A_143 = tpu.memref_squeeze %dma_wait3A_142 : memref<1x64xi32, #tpu.memory_space<hbm>> -> memref<64xi32, #tpu.memory_space<hbm>>
      tpu.wait_dma2 semaphore(%arg16 : memref<!tpu.dma_semaphore, #tpu.memory_space<semaphore_mem>>) src(%dma_wait3A_143 : memref<64xi32, #tpu.memory_space<hbm>>) dst(%arg10 : memref<64xi32, #tpu.memory_space<vmem>>)
      "tpu.region"() ({
        %run_scoped3A = tpu.sem_alloc : memref<!tpu.dma_semaphore, #tpu.memory_space<semaphore_mem>>
        %dma_start3A_161 = arith.constant 0 : i32
        %dma_start3A_162 = arith.constant 0 : i32
        %dma_start3A_163 = tpu.memref_slice %arg7[%dma_start3A_161, %dma_start3A_162] : memref<10016x144xf32, #tpu.memory_space<vmem_shared>> -> memref<10016x144xf32, #tpu.memory_space<vmem_shared>>
        tpu.enqueue_indirect_dma source(%arg12 : memref<64x144xf32, #tpu.memory_space<vmem>>) target(%dma_start3A_163 : memref<10016x144xf32, #tpu.memory_space<vmem_shared>>) offsets(%arg10 : memref<64xi32, #tpu.memory_space<vmem>>) semaphore(%run_scoped3A : memref<!tpu.dma_semaphore, #tpu.memory_space<semaphore_mem>>) {add = true}
        %dma_wait3A_164 = arith.constant 0 : i32
        %dma_wait3A_165 = arith.constant 0 : i32
        %dma_wait3A_166 = tpu.memref_slice %arg7[%dma_wait3A_164, %dma_wait3A_165] : memref<10016x144xf32, #tpu.memory_space<vmem_shared>> -> memref<10016x144xf32, #tpu.memory_space<vmem_shared>>
        tpu.wait_indirect_dma semaphore(%run_scoped3A : memref<!tpu.dma_semaphore, #tpu.memory_space<semaphore_mem>>) src(%arg12 : memref<64x144xf32, #tpu.memory_space<vmem>>) dst(%dma_wait3A_166 : memref<10016x144xf32, #tpu.memory_space<vmem_shared>>)
        tpu.yield
      }) : () -> ()
      %add3A_144 = arith.constant 3 : i32
      %add3A_145 = arith.addi %add3A_96, %add3A_144 : i32
      %dma_start3A_146 = arith.constant 0 : i32
      %dma_start3A_147 = tpu.memref_slice %arg8[%add3A_145, %dma_start3A_146] : memref<228x64xi32, #tpu.memory_space<vmem>> -> memref<1x64xi32, #tpu.memory_space<vmem>>
      %dma_start3A_148 = tpu.memref_squeeze %dma_start3A_147 : memref<1x64xi32, #tpu.memory_space<vmem>> -> memref<64xi32, #tpu.memory_space<vmem>>
      %dma_start3A_149 = arith.constant 0 : i32
      %dma_start3A_150 = arith.constant 0 : i32
      %dma_start3A_151 = tpu.memref_slice %arg2[%dma_start3A_149, %dma_start3A_150] : memref<10000x144xf32, #tpu.memory_space<hbm>> -> memref<10000x144xf32, #tpu.memory_space<hbm>>
      tpu.enqueue_indirect_dma source(%dma_start3A_151 : memref<10000x144xf32, #tpu.memory_space<hbm>>) target(%arg12 : memref<64x144xf32, #tpu.memory_space<vmem>>) offsets(%dma_start3A_148 : memref<64xi32, #tpu.memory_space<vmem>>) semaphore(%arg14 : memref<!tpu.dma_semaphore, #tpu.memory_space<semaphore_mem>>)
      %add3A_152 = arith.addi %select_n3A_8, %add3A_96 : i32
      %add3A_153 = arith.constant 3 : i32
      %add3A_154 = arith.addi %add3A_152, %add3A_153 : i32
      %dma_start3A_155 = arith.constant 0 : i32
      %dma_start3A_156 = tpu.memref_slice %arg4[%add3A_154, %dma_start3A_155] : memref<5256x64xi32, #tpu.memory_space<hbm>> -> memref<1x64xi32, #tpu.memory_space<hbm>>
      %dma_start3A_157 = tpu.memref_squeeze %dma_start3A_156 : memref<1x64xi32, #tpu.memory_space<hbm>> -> memref<64xi32, #tpu.memory_space<hbm>>
      %dma_start3A_158 = arith.constant 0 : i32
      %dma_start3A_159 = tpu.memref_slice %arg4[%add3A_154, %dma_start3A_158] : memref<5256x64xi32, #tpu.memory_space<hbm>> -> memref<1x64xi32, #tpu.memory_space<hbm>>
      %dma_start3A_160 = tpu.memref_squeeze %dma_start3A_159 : memref<1x64xi32, #tpu.memory_space<hbm>> -> memref<64xi32, #tpu.memory_space<hbm>>
      tpu.enqueue_dma source(%dma_start3A_160 : memref<64xi32, #tpu.memory_space<hbm>>) target(%arg10 : memref<64xi32, #tpu.memory_space<vmem>>) target_semaphore(%arg16 : memref<!tpu.dma_semaphore, #tpu.memory_space<semaphore_mem>>)
    }
    %sub3A_56 = arith.constant 2 : i32
    %sub3A_57 = arith.subi %select_n3A, %sub3A_56 : i32
    %dma_wait3A = arith.constant 0 : i32
    %dma_wait3A_58 = tpu.memref_slice %arg8[%sub3A_57, %dma_wait3A] : memref<228x64xi32, #tpu.memory_space<vmem>> -> memref<1x64xi32, #tpu.memory_space<vmem>>
    %dma_wait3A_59 = tpu.memref_squeeze %dma_wait3A_58 : memref<1x64xi32, #tpu.memory_space<vmem>> -> memref<64xi32, #tpu.memory_space<vmem>>
    %dma_wait3A_60 = arith.constant 0 : i32
    %dma_wait3A_61 = arith.constant 0 : i32
    %dma_wait3A_62 = tpu.memref_slice %arg2[%dma_wait3A_60, %dma_wait3A_61] : memref<10000x144xf32, #tpu.memory_space<hbm>> -> memref<10000x144xf32, #tpu.memory_space<hbm>>
    tpu.wait_indirect_dma semaphore(%arg13 : memref<!tpu.dma_semaphore, #tpu.memory_space<semaphore_mem>>) src(%dma_wait3A_62 : memref<10000x144xf32, #tpu.memory_space<hbm>>) dst(%arg11 : memref<64x144xf32, #tpu.memory_space<vmem>>)
    %add3A_63 = arith.addi %select_n3A_8, %select_n3A : i32
    %sub3A_64 = arith.constant 2 : i32
    %sub3A_65 = arith.subi %add3A_63, %sub3A_64 : i32
    %dma_wait3A_66 = arith.constant 0 : i32
    %dma_wait3A_67 = tpu.memref_slice %arg4[%sub3A_65, %dma_wait3A_66] : memref<5256x64xi32, #tpu.memory_space<hbm>> -> memref<1x64xi32, #tpu.memory_space<hbm>>
    %dma_wait3A_68 = tpu.memref_squeeze %dma_wait3A_67 : memref<1x64xi32, #tpu.memory_space<hbm>> -> memref<64xi32, #tpu.memory_space<hbm>>
    %dma_wait3A_69 = arith.constant 0 : i32
    %dma_wait3A_70 = tpu.memref_slice %arg4[%sub3A_65, %dma_wait3A_69] : memref<5256x64xi32, #tpu.memory_space<hbm>> -> memref<1x64xi32, #tpu.memory_space<hbm>>
    %dma_wait3A_71 = tpu.memref_squeeze %dma_wait3A_70 : memref<1x64xi32, #tpu.memory_space<hbm>> -> memref<64xi32, #tpu.memory_space<hbm>>
    tpu.wait_dma2 semaphore(%arg15 : memref<!tpu.dma_semaphore, #tpu.memory_space<semaphore_mem>>) src(%dma_wait3A_71 : memref<64xi32, #tpu.memory_space<hbm>>) dst(%arg9 : memref<64xi32, #tpu.memory_space<vmem>>)
    "tpu.region"() ({
      %run_scoped3A = tpu.sem_alloc : memref<!tpu.dma_semaphore, #tpu.memory_space<semaphore_mem>>
      %dma_start3A_94 = arith.constant 0 : i32
      %dma_start3A_95 = arith.constant 0 : i32
      %dma_start3A_96 = tpu.memref_slice %arg7[%dma_start3A_94, %dma_start3A_95] : memref<10016x144xf32, #tpu.memory_space<vmem_shared>> -> memref<10016x144xf32, #tpu.memory_space<vmem_shared>>
      tpu.enqueue_indirect_dma source(%arg11 : memref<64x144xf32, #tpu.memory_space<vmem>>) target(%dma_start3A_96 : memref<10016x144xf32, #tpu.memory_space<vmem_shared>>) offsets(%arg9 : memref<64xi32, #tpu.memory_space<vmem>>) semaphore(%run_scoped3A : memref<!tpu.dma_semaphore, #tpu.memory_space<semaphore_mem>>) {add = true}
      %dma_wait3A_97 = arith.constant 0 : i32
      %dma_wait3A_98 = arith.constant 0 : i32
      %dma_wait3A_99 = tpu.memref_slice %arg7[%dma_wait3A_97, %dma_wait3A_98] : memref<10016x144xf32, #tpu.memory_space<vmem_shared>> -> memref<10016x144xf32, #tpu.memory_space<vmem_shared>>
      tpu.wait_indirect_dma semaphore(%run_scoped3A : memref<!tpu.dma_semaphore, #tpu.memory_space<semaphore_mem>>) src(%arg11 : memref<64x144xf32, #tpu.memory_space<vmem>>) dst(%dma_wait3A_99 : memref<10016x144xf32, #tpu.memory_space<vmem_shared>>)
      tpu.yield
    }) : () -> ()
    %sub3A_72 = arith.constant 1 : i32
    %sub3A_73 = arith.subi %select_n3A, %sub3A_72 : i32
    %dma_wait3A_74 = arith.constant 0 : i32
    %dma_wait3A_75 = tpu.memref_slice %arg8[%sub3A_73, %dma_wait3A_74] : memref<228x64xi32, #tpu.memory_space<vmem>> -> memref<1x64xi32, #tpu.memory_space<vmem>>
    %dma_wait3A_76 = tpu.memref_squeeze %dma_wait3A_75 : memref<1x64xi32, #tpu.memory_space<vmem>> -> memref<64xi32, #tpu.memory_space<vmem>>
    %dma_wait3A_77 = arith.constant 0 : i32
    %dma_wait3A_78 = arith.constant 0 : i32
    %dma_wait3A_79 = tpu.memref_slice %arg2[%dma_wait3A_77, %dma_wait3A_78] : memref<10000x144xf32, #tpu.memory_space<hbm>> -> memref<10000x144xf32, #tpu.memory_space<hbm>>
    tpu.wait_indirect_dma semaphore(%arg14 : memref<!tpu.dma_semaphore, #tpu.memory_space<semaphore_mem>>) src(%dma_wait3A_79 : memref<10000x144xf32, #tpu.memory_space<hbm>>) dst(%arg12 : memref<64x144xf32, #tpu.memory_space<vmem>>)
    %add3A_80 = arith.addi %select_n3A_8, %select_n3A : i32
    %sub3A_81 = arith.constant 1 : i32
    %sub3A_82 = arith.subi %add3A_80, %sub3A_81 : i32
    %dma_wait3A_83 = arith.constant 0 : i32
    %dma_wait3A_84 = tpu.memref_slice %arg4[%sub3A_82, %dma_wait3A_83] : memref<5256x64xi32, #tpu.memory_space<hbm>> -> memref<1x64xi32, #tpu.memory_space<hbm>>
    %dma_wait3A_85 = tpu.memref_squeeze %dma_wait3A_84 : memref<1x64xi32, #tpu.memory_space<hbm>> -> memref<64xi32, #tpu.memory_space<hbm>>
    %dma_wait3A_86 = arith.constant 0 : i32
    %dma_wait3A_87 = tpu.memref_slice %arg4[%sub3A_82, %dma_wait3A_86] : memref<5256x64xi32, #tpu.memory_space<hbm>> -> memref<1x64xi32, #tpu.memory_space<hbm>>
    %dma_wait3A_88 = tpu.memref_squeeze %dma_wait3A_87 : memref<1x64xi32, #tpu.memory_space<hbm>> -> memref<64xi32, #tpu.memory_space<hbm>>
    tpu.wait_dma2 semaphore(%arg16 : memref<!tpu.dma_semaphore, #tpu.memory_space<semaphore_mem>>) src(%dma_wait3A_88 : memref<64xi32, #tpu.memory_space<hbm>>) dst(%arg10 : memref<64xi32, #tpu.memory_space<vmem>>)
    "tpu.region"() ({
      %run_scoped3A = tpu.sem_alloc : memref<!tpu.dma_semaphore, #tpu.memory_space<semaphore_mem>>
      %dma_start3A_94 = arith.constant 0 : i32
      %dma_start3A_95 = arith.constant 0 : i32
      %dma_start3A_96 = tpu.memref_slice %arg7[%dma_start3A_94, %dma_start3A_95] : memref<10016x144xf32, #tpu.memory_space<vmem_shared>> -> memref<10016x144xf32, #tpu.memory_space<vmem_shared>>
      tpu.enqueue_indirect_dma source(%arg12 : memref<64x144xf32, #tpu.memory_space<vmem>>) target(%dma_start3A_96 : memref<10016x144xf32, #tpu.memory_space<vmem_shared>>) offsets(%arg10 : memref<64xi32, #tpu.memory_space<vmem>>) semaphore(%run_scoped3A : memref<!tpu.dma_semaphore, #tpu.memory_space<semaphore_mem>>) {add = true}
      %dma_wait3A_97 = arith.constant 0 : i32
      %dma_wait3A_98 = arith.constant 0 : i32
      %dma_wait3A_99 = tpu.memref_slice %arg7[%dma_wait3A_97, %dma_wait3A_98] : memref<10016x144xf32, #tpu.memory_space<vmem_shared>> -> memref<10016x144xf32, #tpu.memory_space<vmem_shared>>
      tpu.wait_indirect_dma semaphore(%run_scoped3A : memref<!tpu.dma_semaphore, #tpu.memory_space<semaphore_mem>>) src(%arg12 : memref<64x144xf32, #tpu.memory_space<vmem>>) dst(%dma_wait3A_99 : memref<10016x144xf32, #tpu.memory_space<vmem_shared>>)
      tpu.yield
    }) : () -> ()
    %barrier3A_89 = arith.constant 0 : index
    tpu.barrier barrier_id(%barrier3A_89)
    %mul3A_90 = arith.constant 626 : i32
    %mul3A_91 = arith.muli %arg1, %mul3A_90 : i32
    %mul3A_92 = arith.constant 626 : i32
    %mul3A_93 = arith.muli %arg1, %mul3A_92 : i32
    "tpu.region"() ({
      %run_scoped3A = tpu.sem_alloc : memref<!tpu.dma_semaphore, #tpu.memory_space<semaphore_mem>>
      %dma_start3A_94 = arith.constant 0 : i32
      %dma_start3A_95 = arith.constant 0 : i32
      %dma_start3A_96 = tpu.memref_slice %arg6[%arg0, %dma_start3A_94, %dma_start3A_95] : memref<2x10016x144xf32, #tpu.memory_space<hbm>> -> memref<1x10016x144xf32, #tpu.memory_space<hbm>>
      %dma_start3A_97 = tpu.memref_squeeze %dma_start3A_96 : memref<1x10016x144xf32, #tpu.memory_space<hbm>> -> memref<10016x144xf32, #tpu.memory_space<hbm>>
      %dma_start3A_98 = arith.constant 0 : i32
      %dma_start3A_99 = tpu.memref_slice %dma_start3A_97[%mul3A_93, %dma_start3A_98] : memref<10016x144xf32, #tpu.memory_space<hbm>> -> memref<626x144xf32, #tpu.memory_space<hbm>>
      %dma_start3A_100 = arith.constant 0 : i32
      %dma_start3A_101 = tpu.memref_slice %arg7[%mul3A_91, %dma_start3A_100] : memref<10016x144xf32, #tpu.memory_space<vmem_shared>> -> memref<626x144xf32, #tpu.memory_space<vmem_shared>>
      tpu.enqueue_dma source(%dma_start3A_101 : memref<626x144xf32, #tpu.memory_space<vmem_shared>>) target(%dma_start3A_99 : memref<626x144xf32, #tpu.memory_space<hbm>>) target_semaphore(%run_scoped3A : memref<!tpu.dma_semaphore, #tpu.memory_space<semaphore_mem>>)
      %dma_wait3A_102 = arith.constant 0 : i32
      %dma_wait3A_103 = arith.constant 0 : i32
      %dma_wait3A_104 = tpu.memref_slice %arg6[%arg0, %dma_wait3A_102, %dma_wait3A_103] : memref<2x10016x144xf32, #tpu.memory_space<hbm>> -> memref<1x10016x144xf32, #tpu.memory_space<hbm>>
      %dma_wait3A_105 = tpu.memref_squeeze %dma_wait3A_104 : memref<1x10016x144xf32, #tpu.memory_space<hbm>> -> memref<10016x144xf32, #tpu.memory_space<hbm>>
      %dma_wait3A_106 = arith.constant 0 : i32
      %dma_wait3A_107 = tpu.memref_slice %dma_wait3A_105[%mul3A_93, %dma_wait3A_106] : memref<10016x144xf32, #tpu.memory_space<hbm>> -> memref<626x144xf32, #tpu.memory_space<hbm>>
      %dma_wait3A_108 = arith.constant 0 : i32
      %dma_wait3A_109 = tpu.memref_slice %arg7[%mul3A_91, %dma_wait3A_108] : memref<10016x144xf32, #tpu.memory_space<vmem_shared>> -> memref<626x144xf32, #tpu.memory_space<vmem_shared>>
      tpu.wait_dma2 semaphore(%run_scoped3A : memref<!tpu.dma_semaphore, #tpu.memory_space<semaphore_mem>>) src(%dma_wait3A_109 : memref<626x144xf32, #tpu.memory_space<vmem_shared>>) dst(%dma_wait3A_107 : memref<626x144xf32, #tpu.memory_space<hbm>>)
      tpu.yield
    }) : () -> ()
    return
  }
}

module attributes {stable_mosaic.version = 14 : i64} {
  func.func @_combine(%arg0: i32, %arg1: memref<2x1000x144xf32, #tpu.memory_space<vmem>>, %arg2: memref<1000x128xf32, #tpu.memory_space<vmem>>) attributes {dimension_semantics = [#tpu.dimension_semantics<arbitrary>], iteration_bounds = array<i64: 10>, scalar_prefetch = 0 : i64, scratch_operands = 0 : i64, tpu.core_type = #tpu.core_type<tc>, window_params = [{transform_indices = @transform_0, window_bounds = array<i64: 2, 1000, 144>}, {transform_indices = @transform_1, window_bounds = array<i64: 1000, 128>}]} {
    %get3A = arith.constant 0 : index
    %get3A_0 = arith.constant 0 : index
    %get3A_1 = arith.constant 0 : index
    %get3A_2 = vector.load %arg1[%get3A, %get3A_0, %get3A_1] : memref<2x1000x144xf32, #tpu.memory_space<vmem>>, vector<1x1000x144xf32>
    %get3A_3 = vector.shape_cast %get3A_2 : vector<1x1000x144xf32> to vector<1000x144xf32>
    %get3A_4 = arith.constant 1 : index
    %get3A_5 = arith.constant 0 : index
    %get3A_6 = arith.constant 0 : index
    %get3A_7 = vector.load %arg1[%get3A_4, %get3A_5, %get3A_6] : memref<2x1000x144xf32, #tpu.memory_space<vmem>>, vector<1x1000x144xf32>
    %get3A_8 = vector.shape_cast %get3A_7 : vector<1x1000x144xf32> to vector<1000x144xf32>
    %slice3A = vector.extract_strided_slice %get3A_3 {offsets = [0, 0], sizes = [1000, 128], strides = [1, 1]} : vector<1000x144xf32> to vector<1000x128xf32>
    %slice3A_9 = vector.extract_strided_slice %get3A_8 {offsets = [0, 0], sizes = [1000, 128], strides = [1, 1]} : vector<1000x144xf32> to vector<1000x128xf32>
    %add3A = arith.addf %slice3A, %slice3A_9 : vector<1000x128xf32>
    %slice3A_10 = vector.extract_strided_slice %get3A_3 {offsets = [0, 128], sizes = [1000, 1], strides = [1, 1]} : vector<1000x144xf32> to vector<1000x1xf32>
    %slice3A_11 = vector.extract_strided_slice %get3A_8 {offsets = [0, 128], sizes = [1000, 1], strides = [1, 1]} : vector<1000x144xf32> to vector<1000x1xf32>
    %add3A_12 = arith.addf %slice3A_10, %slice3A_11 : vector<1000x1xf32>
    %gt3A = arith.constant 0.000000e+00 : f32
    %gt3A_13 = vector.broadcast %gt3A : f32 to vector<1000x1xf32>
    %gt3A_14 = arith.cmpf ogt, %add3A_12, %gt3A_13 : vector<1000x1xf32>
    %max3A = arith.constant 1.000000e+00 : f32
    %max3A_15 = vector.broadcast %max3A : f32 to vector<1000x1xf32>
    %max3A_16 = arith.maximumf %add3A_12, %max3A_15 : vector<1000x1xf32>
    %div3A = vector.broadcast %max3A_16 : vector<1000x1xf32> to vector<1000x128xf32>
    %div3A_17 = arith.divf %add3A, %div3A : vector<1000x128xf32>
    %jit3A = arith.constant 0.000000e+00 : f32
    %broadcast_in_dim3A = vector.shape_cast %gt3A_14 : vector<1000x1xi1> to vector<1000x1xi1>
    %broadcast_in_dim3A_18 = vector.broadcast %broadcast_in_dim3A : vector<1000x1xi1> to vector<1000x128xi1>
    %broadcast_in_dim3A_19 = vector.broadcast %jit3A : f32 to vector<1000x128xf32>
    %select_n3A = arith.select %broadcast_in_dim3A_18, %div3A_17, %broadcast_in_dim3A_19 : vector<1000x128xi1>, vector<1000x128xf32>
    %swap3A = arith.constant 0 : index
    %swap3A_20 = arith.constant 0 : index
    %swap3A_21 = vector.load %arg2[%swap3A, %swap3A_20] : memref<1000x128xf32, #tpu.memory_space<vmem>>, vector<1000x128xf32>
    tpu.vector_store %arg2[%swap3A, %swap3A_20], %select_n3A {strides = array<i32>} : memref<1000x128xf32, #tpu.memory_space<vmem>>, vector<1000x128xf32>,
    return
  }
  func.func @transform_0(%arg0: i32) -> (i32, i32, i32) {
    %c0_i32 = arith.constant 0 : i32
    %c0_i32_0 = arith.constant 0 : i32
    %c0_i32_1 = arith.constant 0 : i32
    return %c0_i32, %arg0, %c0_i32_0 : i32, i32, i32
  }
  func.func @transform_1(%arg0: i32) -> (i32, i32) {
    %c0_i32 = arith.constant 0 : i32
    %c0_i32_0 = arith.constant 0 : i32
    return %arg0, %c0_i32 : i32, i32
  }
}

</mosaic_0001>

<sc_bundles>
// kernel: kernel.4.cloned.1.call-start
scs
__scs_entry_jumppad:
0x0: {  	(pc) =	sbr.rel $0x88, $3  }
0x1: {  	(tag) =	ssettag $0x0;
	lr =	simm.s32 $0x1  }
0x2: {  	[smem:$0x3F9F] =	sst lr;
	_ =	strace $0xD0000000  }
0x3: {  	_ = 	snop  }
0x4: {  	_ = 	snop  }
0x5: {  	_ = 	snop  }
0x6: {  	_ = 	snop  }
0x7: {  	_ = 	snop  }
__scs_overlays_trampoline_lowered:
0x8: {  	[smem:$0x3FAE] =	sst s0  }
0x9: {  	[smem:$0x3FAF] =	sst s1  }
0xa: {  	[smem:$0x3FB0] =	sst s2  }
0xb: {  	[smem:$0x3FB1] =	sst s3  }
0xc: {  	[smem:$0x3FB2] =	sst s4  }
0xd: {  	[smem:$0x3FB3] =	sst s5  }
0xe: {  	[smem:$0x3FB4] =	sst s6  }
0xf: {  	[smem:$0x3FB5] =	sst s7  }
0x10: {  	[smem:$0x3FB6] =	sst s8  }
0x11: {  	[smem:$0x3FB7] =	sst s9;
	s0 =	simm.s32 @!p0 $0x0  }
0x12: {  	s1 =	sld [smem:$0x3F9D];
	s0 =	simm.s32 @p0 $0x1  }
0x13: {  	[smem:$0x3FB8] =	sst s0;
	s0 =	simm.s32 @!p1 $0x0  }
0x14: {  	s2 =	sld [smem:$0x3F9C];
	s0 =	simm.s32 @p1 $0x1  }
0x15: {  	[smem:$0x3FB9] =	sst s0;
	s0 =	simm.s32 @!p2 $0x0  }
0x16: {  	s3 =	sld [smem:$0x3FDB];
	s0 =	simm.s32 @p2 $0x1  }
0x17: {  	s4 =	simm.s32 $0x1BF5;
	[smem:$0x3FBB] =	sst s0  }
0x18: {  	s0 =	sld [smem:$0x3F9E];
	_ =	swait.ge [sflag:s4], $0x0  }
0x19: {  	s7 =	sld [smem:$0x3F9F]  }
0x1a: {  	s8 =	sadd.s32 $0xFFFFE003, lr  }
0x1b: {  	s9 =	sadd.s32 $0xFFFFFEF7, lr;
	s5 =	simm.s32 $0xFFFFFFFF;
	p2 =	slt.u32 s8, $0xFFFFF086  }
0x1c: {  	p1 =	slt.u32 s9, $0xF7A;
	s5 =	simm.s32 @!p2 $0x0  }
0x1d: {  	s5 =	simm.s32 @p1 $0x1;
	p0 =	seq.s32 s7, s2  }
0x1e: {  	s7 =	smul.u32 @!p0 $0xF7A, s2;
	p2 =	seq.s32 @!p0 s5, $0x0  }
0x1f: {  	s9 =	smul.u32 $0xF7A, s1;
	s8 =	simm.s32 @!p0 $0x1BF5;
	p2 =	por !p2, p0  }
0x20: {  	[sflag:s8] =	ssyncset.s32 @!p0 $0xFFFFF086;
	s6 =	sadd.s32 @!p0 s3, s7;
	s7 =	simm.s32 @!p0 $0x108  }
0x21: {  	s3 =	sadd.s32 s3, s9;
	s6 =	sadd.s32 @!p0 $0x88, s6;
	s7 =	simm.s32 @p2 $0x1082  }
0x22: {  	[simem:s7], [sflag:s8] =	dma.local @!p0 [hbm:s6], $0xF7A  }
0x23: {  	s9 =	sor.u32 $0xD0000000, s2;
	s6 =	simm.s32 $0x108;
	_ =	swait.ge @!p0 [sflag:s8], $0x0  }
0x24: {  	s3 =	sadd.s32 $0x88, s3;
	s6 =	simm.s32 @!p1 $0x1082;
	[sflag:s4] =	ssyncset.s32 $0xFFFFF086  }
0x25: {  	[simem:s6], [sflag:s4] =	dma.local [hbm:s3], $0xF7A  }
0x26: {  	[smem:$0x3F9F] =	sst s1;
	(tag) =	ssettag s2;
	_ =	strace s9  }
0x27: {  	s1 =	sld [smem:$0x3FAF]  }
0x28: {  	s2 =	sld [smem:$0x3FB0]  }
0x29: {  	s4 =	sld [smem:$0x3FB2]  }
0x2a: {  	p0 =	seq.s32 s5, $0x0;
	s5 =	sld [smem:$0x3FB3]  }
0x2b: {  	s6 =	sld [smem:$0x3FB4]  }
0x2c: {  	s7 =	sld [smem:$0x3FB5]  }
0x2d: {  	s3 =	simm.s32 $0x108;
	s8 =	sld [smem:$0x3FB6]  }
0x2e: {  	s3 =	simm.s32 @!p0 $0x1082;
	s9 =	sld [smem:$0x3FB7]  }
0x2f: {  	lr =	sadd.s32 s0, s3;
	s0 =	sld [smem:$0x3FAE]  }
0x30: {  	s3 =	sld [smem:$0x3FB1]  }
0x31: {  	[smem:$0x3FBA] =	sst s10  }
0x32: {  	s10 =	sld [smem:$0x3FB8];
	_ =	sdelay $0x3  }
0x33: {  	p0 =	seq.s32 s10, $0x1;
	s10 =	sld [smem:$0x3FBA];
	_ =	sdelay $0x3  }
0x34: {  	[smem:$0x3FBA] =	sst s10  }
0x35: {  	s10 =	sld [smem:$0x3FB9];
	_ =	sdelay $0x3  }
0x36: {  	p1 =	seq.s32 s10, $0x1;
	s10 =	sld [smem:$0x3FBA];
	_ =	sdelay $0x3  }
0x37: {  	[smem:$0x3FBA] =	sst s10  }
0x38: {  	s10 =	sld [smem:$0x3FBB]  }
0x39: {  	_ = 	snop;
	(pc) =	sbr.ind lr, $3  }
0x3a: {  	_ = 	snop  }
0x3b: {  	_ = 	snop  }
0x3c: {  	p2 =	seq.s32 s10, $0x1;
	s10 =	sld [smem:$0x3FBA]  }
0x3d: {  	_ =	shalt  }
0x3e: {  	_ =	shalt  }
0x3f: {  	_ =	shalt  }
0x40: {  	_ =	shalt  }
0x41: {  	_ =	shalt  }
0x42: {  	_ =	shalt  }
0x43: {  	_ =	shalt  }
0x44: {  	_ =	shalt  }
0x45: {  	_ =	shalt  }
0x46: {  	_ =	shalt  }
0x47: {  	_ =	shalt  }
0x48: {  	_ =	shalt  }
0x49: {  	_ =	shalt  }
0x4a: {  	_ =	shalt  }
0x4b: {  	_ =	shalt  }
0x4c: {  	_ =	shalt  }
0x4d: {  	_ =	shalt  }
0x4e: {  	_ =	shalt  }
0x4f: {  	_ =	shalt  }
0x50: {  	_ =	shalt  }
0x51: {  	_ =	shalt  }
0x52: {  	_ =	shalt  }
0x53: {  	_ =	shalt  }
0x54: {  	_ =	shalt  }
0x55: {  	_ =	shalt  }
0x56: {  	_ =	shalt  }
0x57: {  	_ =	shalt  }
0x58: {  	_ =	shalt  }
0x59: {  	_ =	shalt  }
0x5a: {  	_ =	shalt  }
0x5b: {  	_ =	shalt  }
0x5c: {  	_ =	shalt  }
0x5d: {  	_ =	shalt  }
0x5e: {  	_ =	shalt  }
0x5f: {  	_ =	shalt  }
0x60: {  	_ =	shalt  }
0x61: {  	_ =	shalt  }
0x62: {  	_ =	shalt  }
0x63: {  	_ =	shalt  }
0x64: {  	_ =	shalt  }
0x65: {  	_ =	shalt  }
0x66: {  	_ =	shalt  }
0x67: {  	_ =	shalt  }
0x68: {  	_ =	shalt  }
0x69: {  	_ =	shalt  }
0x6a: {  	_ =	shalt  }
0x6b: {  	_ =	shalt  }
0x6c: {  	_ =	shalt  }
0x6d: {  	_ =	shalt  }
0x6e: {  	_ =	shalt  }
0x6f: {  	_ =	shalt  }
0x70: {  	_ =	shalt  }
0x71: {  	_ =	shalt  }
0x72: {  	_ =	shalt  }
0x73: {  	_ =	shalt  }
0x74: {  	_ =	shalt  }
0x75: {  	_ =	shalt  }
0x76: {  	_ =	shalt  }
0x77: {  	_ =	shalt  }
0x78: {  	_ =	shalt  }
0x79: {  	_ =	shalt  }
0x7a: {  	_ =	shalt  }
0x7b: {  	_ =	shalt  }
0x7c: {  	_ =	shalt  }
0x7d: {  	_ =	shalt  }
0x7e: {  	_ =	shalt  }
0x7f: {  	_ =	shalt  }
0x80: {  	_ =	shalt  }
0x81: {  	_ =	shalt  }
0x82: {  	_ =	shalt  }
0x83: {  	_ =	shalt  }
0x84: {  	_ =	shalt  }
0x85: {  	_ =	shalt  }
0x86: {  	_ =	shalt  }
0x87: {  	_ =	shalt  }
.Lfunc_end0:
.L_simem_size_0:
called_computation_lowered:
.L_overlay_start_0:
0x88: {  	s2 =	sld [smem:$0x3FD9]  }
0x89: {  	s3 =	sld [smem:$0x3FFE];
	_ =	sdelay $0x1  }
0x8a: {  	s1 =	srdreg.scid  }
0x8b: {  	s0 =	sand.u32 $0x1, s1  }
0x8c: {  	s17 =	sshll.u32 s0, $0xA;
	s2 =	sadd.s32 s3, s2  }
0x8d: {  	s2 =	sadd.s32 s2, s17  }
0x8e: {  	[smem:$0x3FC6] =	sst s2  }
0x8f: {  	_ = 	snop  }
0x90: {  	s2 =	sld [smem:$0x3FD0];
	(tm) =	ssettm $0x1  }
0x91: {  	s18 =	sld [smem:$0x3FFB];
	_ =	sdelay $0x3  }
0x92: {  	_ =	strace s18  }
0x93: {  	s3 =	sld [smem:$0x3FFC];
	_ =	sdelay $0x3  }
0x94: {  	_ =	strace s3  }
0x95: {  	s3 =	sld [smem:$0x3FFD];
	_ =	sdelay $0x3  }
0x96: {  	_ =	strace s3  }
0x97: {  	_ =	strace $0x8FFFFFFF  }
0x98: {  	s19 =	sld [smem:$0x3FDB];
	_ =	sdelay $0x1  }
0x99: {  	s4 =	simm.s32 $_scs_section_size  }
0x9a: {  	s5 =	simm.s32 $_size__tile_overlayer_lowered;
	s6 =	simm.s32 $_tile_overlayer_lowered  }
0x9b: {  	s22 =	simm.s32 $0x1BFF;
	s21 =	sshll.u32 s6, $0x1;
	s3 =	sadd.s32 s4, s19  }
0x9c: {  	s7 =	simm.s32 $0x0;
	s20 =	sshll.u32 s5, $0x1;
	s5 =	sadd.s32 s21, s3  }
0x9d: {  	[timem:s7], [sflag:s22] =	dma.local [hbm:s5], s20  }
0x9e: {  	_ =	swait.ge [sflag:s22], s20  }
0x9f: {  	s4 =	ssub.s32 $0x0, s20;
	[sflag:s22] =	ssyncset.done $0x0  }
0xa0: {  	[sflag:s22] =	ssyncadd.s32 s4;
	_ =	sdelay $0x1  }
0xa1: {  	s23 =	simm.s32 $0x1B8B  }
0xa2: {  	_ =	swait.ge [sflag:s23], $0x1  }
0xa3: {  	[sflag:s23] =	ssyncset.done $0x0  }
0xa4: {  	s25 =	simm.s32 $0x1B8E;
	s24 =	sld [smem:$0x3FFE];
	[sflag:s23] =	ssyncadd.s32 $0xFFFFFFFF  }
0xa5: {  	s26 =	simm.s32 $execute0_lowered;
	[smem:$0x3FD2] =	sst s25  }
0xa6: {  	s5 =	sshll.u32 s26, $0x1;
	_ =	strace $0x80000046;
	[dreg:$0x1] =	wrdreg $0xFFFFFFFF  }
0xa7: {  	s28 =	simm.s32 $_size_execute0_lowered;
	s3 =	sadd.s32 s3, s5;
	[dreg:$0x0] =	wrdreg $0x0  }
0xa8: {  	s5 =	sshll.u32 s28, $0x1;
	[dreg:$0x2] =	wrdreg s3  }
0xa9: {  	[dreg:$0x3] =	wrdreg s5  }
0xaa: {  	[dreg:$0x4] =	wrdreg $0xC0  }
0xab: {  	_ =	task [dreg:s7], $0x5FFFF  }
0xac: {  	[dreg:$0x1] =	wrdreg $0xFFFFFFFF  }
0xad: {  	[dreg:$0x0] =	wrdreg $0x60  }
0xae: {  	[dreg:$0x2] =	wrdreg s24  }
0xaf: {  	[dreg:$0x3] =	wrdreg s2  }
0xb0: {  	[dreg:$0x4] =	wrdreg $0x0  }
0xb1: {  	[dreg:$0x5] =	wrdreg $0x9  }
0xb2: {  	_ =	task.clear_ibuf [dreg:s7], $0x6FFFF;
	_ =	strace $0x90000046  }
0xb3: {  	s29 =	simm.s32 $0x9;
	_ =	strace $0x80000048  }
0xb4: {  	_ =	swait.ge [sflag:s29], $0x1  }
0xb5: {  	[sflag:s29] =	ssyncadd.s32 $0xFFFFFFFF  }
0xb6: {  	_ =	strace $0x90000048  }
0xb7: {  	_ =	sfence  }
0xb8: {  	s30 =	sld [smem:$0x0];
	_ =	sdelay $0x2  }
0xb9: {  	s31 =	sshll.u32 s1, $0xD;
	s1 =	sshrl.u32 s1, $0x2  }
0xba: {  	s3 =	sand.u32 $0x4000, s31;
	s1 =	sadd.s32 s1, s30  }
0xbb: {  	s0 =	sor.u32 s3, s0;
	s1 =	sshll.u32 s1, $0x11  }
0xbc: {  	s0 =	sor.u32 s1, s0  }
0xbd: {  	s0 =	sadd.s32 $0x8F2B, s0  }
0xbe: {  	[sflag:s0] =	ssyncadd.remote.s32 $0x1  }
0xbf: {  	_ =	sfence.sel $0xFFFF  }
0xc0: {  	[dreg:$0x0] =	wrdreg $0xFFFFFFFF;
	(pc) =	sbr.abs _section_cstart, $3  }
0xc1: {  	[dreg:$0x1] =	wrdreg $0xFFFFFFFF  }
0xc2: {  	_ =	task.clear_ibuf [dreg:s7], $0x2FFFF;
	_ =	strace $0x9FFFFFFF  }
0xc3: {  	(tm) =	ssettm $0x7FFFFFFF  }
tec
execute0_lowered:
.L_overlay_start_1:
0x0: {  	(tag) =	ssettag $0x1  }
0x1: {  	s1 =	rddreg [dreg:$0x0]  }
0x2: {  	s0 =	stileid.u32;
	s7 =	rddreg [dreg:$0x1]  }
0x3: {  	s2 =	srdreg.scid;
	s3 =	rddreg [dreg:$0x2]  }
0x4: {  	s15 =	simm.s32 $0x16020;
	s16 =	simm.s32 $0x19920;
	s17 =	simm.s32 $0x19960  }
0x5: {  	s18 =	simm.s32 $0x40;
	s19 =	simm.s32 $0x199A0;
	s20 =	simm.s32 $0x16060  }
0x6: {  	s21 =	simm.s32 $0x1BDA0;
	s22 =	simm.s32 $0x1;
	s4 =	smul.u32 $0x5C, s0  }
0x7: {  	s23 =	simm.s32 $0x3;
	s26 =	simm.s32 $0x4;
	s5 =	smul.u32 $0xE4, s0  }
0x8: {  	s28 =	simm.s32 $0x0;
	s2 =	sand.u32 $0x1, s2;
	s11 =	smul.u32 $0x16020, s0  }
0x9: {  	s9 =	sshll.u32 s0, $0x6;
	p0 =	seq.s32 s2, $0x0;
	s30 =	smul.u32 $0x2C040, s2  }
0xa: {  	s2 =	ssub.s32 $0x2, s2;
	s6 =	sadd.s32 $0xE40, s4;
	s4 =	simm.s32 $0x0  }
0xb: {  	s31 =	sshrl.u32 s2, $0x1;
	s14 =	sadd.s32 s11, s3;
	s25 =	sshrl.u32 s11, $0x3  }
0xc: {  	s6 =	smov.u32 @p0 s5;
	[smem:$0x7FF] =	sst s4;
	s5 =	sadd.s32 $0x36600, s1  }
0xd: {  	s13 =	sadd.s32 s30, s1;
	s2 =	ssub.s32 s2, s31;
	s8 =	sshll.u32 s6, $0x3  }
0xe: {  	_ =	strace $0x80000047;
	s6 =	sor.u32 $0x1C05, s9;
	s9 =	simm.s32 $0x71  }
0xf: {  	s24 =	sadd.s32 $0x39400, s13;
	s11 =	smax.u32 s2, $0x1;
	s13 =	sshrl.u32 s14, $0x3  }
0x10: {  	s14 =	simm.s32 $0x5;
	s12 =	sadd.s32 s8, s1;
	s7 =	sadd.s32 s7, s8  }
0x11: {  	s9 =	simm.s32 @!p0 $0x2D;
	s24 =	sadd.s32 s25, s24;
	s25 =	simm.s32 $0x2  }
0x12: {  	s8 =	sadd.s32 $0x2C000, s12;
	s10 =	sadd.s32 $0x2C008, s12;
	s12 =	sadd.s32 $0x2C010, s12  }
.LBB2_1:
0x13: {  	[spmem:s13], [sflag:s6] =	dma.local [hbm:s5], $0x2C04  }
0x14: {  	_ =	swait.ge [sflag:s14], $0x2C04  }
0x15: {  	[sflag:s14] =	ssyncset.done $0x0  }
0x16: {  	[sflag:s14] =	ssyncadd.s32 $0xFFFFD3FC  }
0x17: {  	[tilespmem:s15], [sflag:$0x5] =	stream.linear.gather [hbm4b:s7+s4], $0x3900, $0x38;
	[tilespmem:$0x1E1A0] =	vst v63  }
0x18: {  	_ =	swait.ge [sflag:s14], $0x3900  }
0x19: {  	[sflag:s14] =	ssyncset.done $0x0  }
0x1a: {  	[sflag:s14] =	ssyncadd.s32 $0xFFFFC700  }
0x1b: {  	[bflag:$0x0] =	sbarrier.arrive $0xFFFF  }
0x1c: {  	[tilespmem:s16], [sflag:$0x3] =	stream.linear.gather [hbm4b:s8+s4], $0x40, $0x38;
	[tilespmem:$0x1E1A0] =	vst v63  }
0x1d: {  	_ = 	snop  }
0x1e: {  	[tilespmem:s17], [sflag:$0x4] =	stream.linear.gather [hbm4b:s10+s4], $0x40, $0x38;
	[tilespmem:$0x1E1A0] =	vst v63  }
0x1f: {  	_ = 	snop  }
0x20: {  	[tilespmem:s19], [sflag:$0x1] =	stream.indirect.gather [hbm4b:s1+s18], $0x90, s15, s18, $0xb8;
	[tilespmem:$0x1E1A0] =	vst v63  }
0x21: {  	_ = 	snop  }
0x22: {  	[tilespmem:s21], [sflag:$0x2] =	stream.indirect.gather [hbm4b:s1+s18], $0x90, s20, s18, $0xb8;
	[tilespmem:$0x1E1A0] =	vst v63  }
0x23: {  	_ =	swait.ge [sflag:s22], $0x2400  }
0x24: {  	[sflag:s22] =	ssyncset.done $0x0  }
0x25: {  	[sflag:s22] =	ssyncadd.s32 $0xFFFFDC00  }
0x26: {  	_ =	swait.ge [sflag:s23], $0x40  }
0x27: {  	[sflag:s23] =	ssyncset.done $0x0  }
0x28: {  	[sflag:s23] =	ssyncadd.s32 $0xFFFFFFC0  }
0x29: {  	[spmem:s3] =	stream.indirect.scatter.add.f32 [tilespmem:s19], [sflag:$0x5], $0x90, s16, s18, $0xb8;
	[tilespmem:$0x1E1A0] =	vst v63  }
0x2a: {  	_ =	swait.ge [sflag:s14], $0x2400  }
0x2b: {  	[sflag:s14] =	ssyncset.done $0x0  }
0x2c: {  	s2 =	simm.s32 $0x160A0;
	[sflag:s14] =	ssyncadd.s32 $0xFFFFDC00  }
0x2d: {  	[tilespmem:s19], [sflag:$0x1] =	stream.indirect.gather [hbm4b:s1+s18], $0x90, s2, s18, $0xb8;
	[tilespmem:$0x1E1A0] =	vst v63  }
0x2e: {  	_ = 	snop  }
0x2f: {  	[tilespmem:s16], [sflag:$0x3] =	stream.linear.gather [hbm4b:s12+s4], $0x40, $0x38;
	[tilespmem:$0x1E1A0] =	vst v63  }
0x30: {  	_ =	swait.ge [sflag:s25], $0x2400  }
0x31: {  	[sflag:s25] =	ssyncset.done $0x0  }
0x32: {  	[sflag:s25] =	ssyncadd.s32 $0xFFFFDC00  }
0x33: {  	_ =	swait.ge [sflag:s26], $0x40  }
0x34: {  	[sflag:s26] =	ssyncset.done $0x0  }
0x35: {  	p0 =	sne.s32 s9, $0x1;
	[sflag:s26] =	ssyncadd.s32 $0xFFFFFFC0  }
0x36: {  	[spmem:s3] =	stream.indirect.scatter.add.f32 [tilespmem:s21], [sflag:$0x5], $0x90, s17, s18, $0xb8;
	[tilespmem:$0x1E1A0] =	vst v63  }
.Ltmp0:
0x37: {  	_ =	swait.ge [sflag:s14], $0x2400;
	(pc) =	sbr.rel @!p0 .LBB2_3-.Ltmp0, $4  }
0x38: {  	[sflag:s14] =	ssyncset.done $0x0  }
0x39: {  	s29 =	sadd.s32 $0xFFFFFFFF, s9;
	s2 =	simm.s32 $0x160E0;
	[sflag:s14] =	ssyncadd.s32 $0xFFFFDC00  }
0x3a: {  	[tilespmem:s21], [sflag:$0x2] =	stream.indirect.gather [hbm4b:s1+s18], $0x90, s2, s18, $0xb8;
	[tilespmem:$0x1E1A0] =	vst v63  }
0x3b: {  	s30 =	simm.s32 $0x16160;
	s31 =	sadd.s32 $0x10, s12;
	s2 =	sadd.s32 $0x8, s12  }
.LBB2_2:
0x3c: {  	[tilespmem:s17], [sflag:$0x4] =	stream.linear.gather [hbm4b:s2+s4], $0x40, $0x38;
	[tilespmem:$0x1E1A0] =	vst v63  }
0x3d: {  	p0 =	sne.s32 s29, $0x1;
	s29 =	sadd.s32 $0xFFFFFFFF, s29;
	_ =	swait.ge [sflag:s22], $0x2400  }
0x3e: {  	[sflag:s22] =	ssyncset.done $0x0  }
0x3f: {  	[sflag:s22] =	ssyncadd.s32 $0xFFFFDC00  }
0x40: {  	_ =	swait.ge [sflag:s23], $0x40  }
0x41: {  	[sflag:s23] =	ssyncset.done $0x0  }
0x42: {  	[sflag:s23] =	ssyncadd.s32 $0xFFFFFFC0  }
0x43: {  	[spmem:s3] =	stream.indirect.scatter.add.f32 [tilespmem:s19], [sflag:$0x5], $0x90, s16, s18, $0xb8;
	[tilespmem:$0x1E1A0] =	vst v63  }
0x44: {  	_ =	swait.ge [sflag:s14], $0x2400  }
0x45: {  	[sflag:s14] =	ssyncset.done $0x0  }
0x46: {  	s2 =	sadd.s32 $0xFFFFFFC0, s30;
	[sflag:s14] =	ssyncadd.s32 $0xFFFFDC00  }
0x47: {  	[tilespmem:s19], [sflag:$0x1] =	stream.indirect.gather [hbm4b:s1+s18], $0x90, s2, s18, $0xb8;
	[tilespmem:$0x1E1A0] =	vst v63  }
0x48: {  	_ = 	snop  }
0x49: {  	[tilespmem:s16], [sflag:$0x3] =	stream.linear.gather [hbm4b:s31+s4], $0x40, $0x38;
	[tilespmem:$0x1E1A0] =	vst v63  }
0x4a: {  	_ =	swait.ge [sflag:s25], $0x2400  }
0x4b: {  	[sflag:s25] =	ssyncset.done $0x0  }
0x4c: {  	[sflag:s25] =	ssyncadd.s32 $0xFFFFDC00  }
0x4d: {  	_ =	swait.ge [sflag:s26], $0x40  }
0x4e: {  	[sflag:s26] =	ssyncset.done $0x0  }
0x4f: {  	[sflag:s26] =	ssyncadd.s32 $0xFFFFFFC0  }
0x50: {  	[spmem:s3] =	stream.indirect.scatter.add.f32 [tilespmem:s21], [sflag:$0x5], $0x90, s17, s18, $0xb8;
	[tilespmem:$0x1E1A0] =	vst v63  }
.Ltmp1:
0x51: {  	_ =	swait.ge [sflag:s14], $0x2400;
	(pc) =	sbr.rel @p0 .LBB2_2-.Ltmp1, $4  }
0x52: {  	[sflag:s14] =	ssyncset.done $0x0  }
0x53: {  	[sflag:s14] =	ssyncadd.s32 $0xFFFFDC00  }
0x54: {  	[tilespmem:s21], [sflag:$0x2] =	stream.indirect.gather [hbm4b:s1+s18], $0x90, s30, s18, $0xb8;
	[tilespmem:$0x1E1A0] =	vst v63  }
0x55: {  	s2 =	sadd.s32 $0x8, s31;
	s31 =	sadd.s32 $0x10, s31;
	s30 =	sadd.s32 $0x80, s30  }
.LBB2_3:
0x56: {  	[tilespmem:s17], [sflag:$0x4] =	stream.linear.gather [hbm4b:s2+s4], $0x40, $0x38;
	[tilespmem:$0x1E1A0] =	vst v63  }
0x57: {  	_ =	swait.ge [sflag:s22], $0x2400  }
0x58: {  	[sflag:s22] =	ssyncset.done $0x0  }
0x59: {  	[sflag:s22] =	ssyncadd.s32 $0xFFFFDC00  }
0x5a: {  	_ =	swait.ge [sflag:s23], $0x40  }
0x5b: {  	[sflag:s23] =	ssyncset.done $0x0  }
0x5c: {  	[sflag:s23] =	ssyncadd.s32 $0xFFFFFFC0  }
0x5d: {  	[spmem:s3] =	stream.indirect.scatter.add.f32 [tilespmem:s19], [sflag:$0x5], $0x90, s16, s18, $0xb8;
	[tilespmem:$0x1E1A0] =	vst v63  }
0x5e: {  	_ =	swait.ge [sflag:s14], $0x2400  }
0x5f: {  	[sflag:s14] =	ssyncset.done $0x0  }
0x60: {  	[sflag:s14] =	ssyncadd.s32 $0xFFFFDC00  }
0x61: {  	_ =	swait.ge [sflag:s25], $0x2400  }
0x62: {  	[sflag:s25] =	ssyncset.done $0x0  }
0x63: {  	[sflag:s25] =	ssyncadd.s32 $0xFFFFDC00  }
0x64: {  	_ =	swait.ge [sflag:s26], $0x40  }
0x65: {  	[sflag:s26] =	ssyncset.done $0x0  }
0x66: {  	[sflag:s26] =	ssyncadd.s32 $0xFFFFFFC0  }
0x67: {  	[spmem:s3] =	stream.indirect.scatter.add.f32 [tilespmem:s21], [sflag:$0x5], $0x90, s17, s18, $0xb8;
	[tilespmem:$0x1E1A0] =	vst v63  }
0x68: {  	_ =	swait.ge [sflag:s14], $0x2400  }
0x69: {  	s28 =	sadd.s32 $0x1, s28;
	[sflag:s14] =	ssyncset.done $0x0  }
0x6a: {  	p0 =	sne.s32 s28, s11;
	[sflag:s14] =	ssyncadd.s32 $0xFFFFDC00  }
.Ltmp2:
0x6b: {  	[bflag:$0x0] =	sbarrier.arrive $0xFFFF;
	(pc) =	sbr.rel @p0 .LBB2_1-.Ltmp2, $4  }
0x6c: {  	[hbm:s24], [sflag:s6] =	dma.local [spmem:s13], $0x2C04  }
0x6d: {  	_ =	swait.ge [sflag:s14], $0x2C04  }
0x6e: {  	[sflag:s14] =	ssyncset.done $0x0  }
0x6f: {  	[sflag:s14] =	ssyncadd.s32 $0xFFFFD3FC  }
0x70: {  	_ =	sfence.sel $0x180000  }
0x71: {  	[bflag:$0x0] =	sbarrier.arrive $0xFFFF  }
0x72: {  	_ =	strace $0x90000047  }
0x73: {  	[bflag:$0x2] =	sbarrier.arrive $0xFFFF  }
0x74: {  	p0 =	sne.s32 s0, $0x0;
	s0 =	rddreg [dreg:$0x3]  }
0x75: {  	s0 =	sadd.s32 @!p0 $0x100000, s0  }
0x76: {  	[sflag:s0] =	ssyncadd.tile.s32 @!p0 $0x1;
	_ =	shalt  }
.Lfunc_end2:
_tile_overlayer_lowered:
.L_overlay_start_2:
0x77: {  	(tag) =	ssettag $0x2  }
0x78: {  	s0 =	rddreg [dreg:$0x0];
	s2 =	stileid.u32  }
0x79: {  	s1 =	rddreg [dreg:$0x1];
	p0 =	sne.s32 s2, $0x0  }
0x7a: {  	s3 =	rddreg [dreg:$0x2];
	[bflag:$0x3] =	sbarrier.arrive $0xFFFF;
	s2 =	simm.s32 @!p0 $0x1C05  }
0x7b: {  	[timem:s3], [sflag:s2] =	dma.local @!p0 [hbm:s0], s1  }
0x7c: {  	s0 =	simm.s32 @!p0 $0x5  }
0x7d: {  	_ =	swait.ge @!p0 [sflag:s0], s1  }
0x7e: {  	s1 =	ssub.s32 @!p0 $0x0, s1;
	[sflag:s0] =	ssyncset.done @!p0 $0x0  }
0x7f: {  	[sflag:s0] =	ssyncadd.s32 @!p0 s1  }
0x80: {  	[bflag:$0x3] =	sbarrier.arrive $0xFFFF  }
0x81: {  	_ =	shalt  }

</sc_bundles>
